<compile_context>
chip_gen: v7x
topology: tpu7x:2x2x1
jax: 0.10.2.dev20260603
libtpu: 0.0.44.dev20260713+nightly
codegen_flags: <defaults>
</compile_context>

<pallas_src>
import functools

import jax
import jax.numpy as jnp
from jax import lax
from jax.experimental import pallas as pl
from jax.experimental.pallas import tpu as pltpu
from jax.experimental.pallas import tpu_sc as plsc

D_MODEL = 128
NUM_CORES = 2
NUM_SUBCORES = 16
NUM_WORKERS = NUM_CORES * NUM_SUBCORES
CHUNK = 320


def _make_gather(batch: int, vocab: int):
    assert batch % (8 * NUM_WORKERS) == 0
    b_per_w = batch // NUM_WORKERS
    assert b_per_w % CHUNK == 0
    n_chunks = b_per_w // CHUNK
    assert n_chunks % 2 == 0 and n_chunks >= 4

    mesh = plsc.VectorSubcoreMesh(core_axis_name="c", subcore_axis_name="s")

    @functools.partial(
        pl.kernel,
        mesh=mesh,
        out_type=jax.ShapeDtypeStruct((batch, D_MODEL), jnp.float32),
        scratch_types=[
            pltpu.VMEM((CHUNK,), jnp.int32),
            pltpu.VMEM((CHUNK,), jnp.int32),
            pltpu.VMEM((2, CHUNK, D_MODEL), jnp.float32),
            pltpu.VMEM_SHARED((vocab, D_MODEL), jnp.float32),
            pltpu.SemaphoreType.DMA,
            pltpu.SemaphoreType.DMA,
            pltpu.SemaphoreType.DMA,
            pltpu.SemaphoreType.DMA,
            pltpu.SemaphoreType.DMA,
            pltpu.SemaphoreType.DMA,
        ],
    )
    def gather_kernel(idx_hbm, table_hbm, out_hbm, ix0, ix1, rows_v,
                      table_sp, si0, si1, sg0, sg1, so0, so1):
        wid = lax.axis_index("s") * NUM_CORES + lax.axis_index("c")
        base = wid * b_per_w
        ix = (ix0, ix1)
        si = (si0, si1)
        sg = (sg0, sg1)
        so = (so0, so1)

        @pl.when(lax.axis_index("s") == 0)
        def _stage_table():
            pltpu.sync_copy(table_hbm, table_sp)

        plsc.subcore_barrier()

        def idxc(c, p):
            return pltpu.make_async_copy(
                idx_hbm.at[pl.ds(base + c * CHUNK, CHUNK)], ix[p], si[p])

        def gat(p):
            return pltpu.make_async_copy(
                table_sp.at[ix[p]], rows_v.at[p], sg[p])

        def outc(c, p):
            return pltpu.make_async_copy(
                rows_v.at[p], out_hbm.at[pl.ds(base + c * CHUNK, CHUNK)],
                so[p])

        idxc(0, 0).start()
        idxc(1, 1).start()
        idxc(0, 0).wait()
        gat(0).start()
        idxc(1, 1).wait()
        gat(0).wait()
        gat(1).start()
        idxc(2, 0).start()
        outc(0, 0).start()

        def step(c, p, q):
            gat(p).wait()
            idxc(c + 1, q).wait()
            outc(c - 1, q).wait()
            gat(q).start()
            idxc(c + 2, p).start()
            outc(c, p).start()

        def pair_body(i2, carry):
            c = 2 * i2 + 1
            step(c, 1, 0)
            step(c + 1, 0, 1)
            return carry

        lax.fori_loop(0, (n_chunks - 4) // 2, pair_body, 0)

        n = n_chunks
        gat(1).wait()
        idxc(n - 2, 0).wait()
        outc(n - 4, 0).wait()
        gat(0).start()
        idxc(n - 1, 1).start()
        outc(n - 3, 1).start()

        gat(0).wait()
        idxc(n - 1, 1).wait()
        outc(n - 3, 1).wait()
        gat(1).start()
        outc(n - 2, 0).start()

        gat(1).wait()
        outc(n - 2, 0).wait()
        outc(n - 1, 1).start()
        outc(n - 1, 1).wait()

    return gather_kernel


def kernel(x, table):
    batch, hist = x.shape
    idx = x.reshape(-1)
    out = _make_gather(batch * hist, table.shape[0])(idx, table)
    return out.reshape(batch, hist, D_MODEL)

# --- scband reference (transcript-rebuilt; emitter-appended) ---
"""Pipeline reference for scband-embedding-72507637891464 (READ-ONLY COPY).

The authoritative reference and input builder live on the scoring server;
editing this copy changes nothing except your own understanding.
"""

import jax, jax.numpy as jnp
import numpy as np

VOCAB = 1000
D_MODEL = 128
BATCH = 4096
HIST = 200

def setup_inputs(seed: int = 0) -> dict:
    key = jax.random.key(seed)
    k_idx, k_tab = jax.random.split(key)
    x = jax.random.randint(k_idx, (BATCH, HIST), 0, VOCAB, dtype=jnp.int32)
    # train_from_scratch=True -> nn.Embedding(vocab_size, d_model) learned table
    table = jax.random.normal(k_tab, (VOCAB, D_MODEL), dtype=jnp.float32)
    return {"x": x, "table": table}

def reference(x, table):
    # out = self.embed(x)  -> gather rows of the embedding table
    out = jnp.take(table, x, axis=0)
    return out

if __name__ == "__main__":
    import jax
    _d = setup_inputs()
    print(jax.jit(kernel)(*tuple(_d.values())))

</pallas_src>

<mosaic_0001>
#map = affine_map<(d0, d1) -> (0)>
#map1 = affine_map<(d0, d1) -> (0, 0)>
module attributes {stable_mosaic.version = 14 : i64} {
  func.func @gather_kernel(%arg0: i32, %arg1: i32, %arg2: memref<819200xi32, #tpu.memory_space<hbm>>, %arg3: memref<1000x128xf32, #tpu.memory_space<hbm>>, %arg4: memref<819200x128xf32, #tpu.memory_space<hbm>>, %arg5: memref<320xi32, #tpu.memory_space<vmem>>, %arg6: memref<320xi32, #tpu.memory_space<vmem>>, %arg7: memref<2x320x128xf32, #tpu.memory_space<vmem>>, %arg8: memref<1000x128xf32, #tpu.memory_space<vmem_shared>>, %arg9: memref<!tpu.dma_semaphore, #tpu.memory_space<semaphore_mem>>, %arg10: memref<!tpu.dma_semaphore, #tpu.memory_space<semaphore_mem>>, %arg11: memref<!tpu.dma_semaphore, #tpu.memory_space<semaphore_mem>>, %arg12: memref<!tpu.dma_semaphore, #tpu.memory_space<semaphore_mem>>, %arg13: memref<!tpu.dma_semaphore, #tpu.memory_space<semaphore_mem>>, %arg14: memref<!tpu.dma_semaphore, #tpu.memory_space<semaphore_mem>>) attributes {dimension_semantics = [#tpu.dimension_semantics<core_parallel>, #tpu.dimension_semantics<subcore_parallel>], iteration_bounds = array<i64: 2, 16>, scalar_prefetch = 0 : i64, scratch_operands = 10 : i64, tpu.core_type = #tpu.core_type<sc_vector_subcore>, window_params = [{transform_indices = #map}, {transform_indices = #map1}, {transform_indices = #map1}]} {
    %mul3A = arith.constant 2 : i32
    %mul3A_0 = arith.muli %arg1, %mul3A : i32
    %add3A = arith.addi %mul3A_0, %arg0 : i32
    %mul3A_1 = arith.constant 25600 : i32
    %mul3A_2 = arith.muli %add3A, %mul3A_1 : i32
    %eq3A = arith.constant 0 : i32
    %eq3A_3 = arith.cmpi eq, %arg1, %eq3A : i32
    %convert_element_type3A = arith.extui %eq3A_3 : i1 to i32
    %cond3A = arith.constant 0 : i32
    %cond3A_4 = arith.cmpi ne, %convert_element_type3A, %cond3A : i32
    scf.if %cond3A_4 {
      "tpu.region"() ({
        %run_scoped3A = tpu.sem_alloc : memref<!tpu.dma_semaphore, #tpu.memory_space<semaphore_mem>>
        tpu.enqueue_dma source(%arg3 : memref<1000x128xf32, #tpu.memory_space<hbm>>) target(%arg8 : memref<1000x128xf32, #tpu.memory_space<vmem_shared>>) target_semaphore(%run_scoped3A : memref<!tpu.dma_semaphore, #tpu.memory_space<semaphore_mem>>)
        tpu.wait_dma2 semaphore(%run_scoped3A : memref<!tpu.dma_semaphore, #tpu.memory_space<semaphore_mem>>) src(%arg3 : memref<1000x128xf32, #tpu.memory_space<hbm>>) dst(%arg8 : memref<1000x128xf32, #tpu.memory_space<vmem_shared>>)
        tpu.yield
      }) : () -> ()
    } else {
    }
    %barrier3A = arith.constant 0 : index
    tpu.barrier barrier_id(%barrier3A)
    %add3A_5 = arith.constant 0 : i32
    %add3A_6 = arith.addi %mul3A_2, %add3A_5 : i32
    %dma_start3A = tpu.memref_slice %arg2[%add3A_6] : memref<819200xi32, #tpu.memory_space<hbm>> -> memref<320xi32, #tpu.memory_space<hbm>>
    %dma_start3A_7 = tpu.memref_slice %arg2[%add3A_6] : memref<819200xi32, #tpu.memory_space<hbm>> -> memref<320xi32, #tpu.memory_space<hbm>>
    tpu.enqueue_dma source(%dma_start3A_7 : memref<320xi32, #tpu.memory_space<hbm>>) target(%arg5 : memref<320xi32, #tpu.memory_space<vmem>>) target_semaphore(%arg9 : memref<!tpu.dma_semaphore, #tpu.memory_space<semaphore_mem>>)
    %add3A_8 = arith.constant 320 : i32
    %add3A_9 = arith.addi %mul3A_2, %add3A_8 : i32
    %dma_start3A_10 = tpu.memref_slice %arg2[%add3A_9] : memref<819200xi32, #tpu.memory_space<hbm>> -> memref<320xi32, #tpu.memory_space<hbm>>
    %dma_start3A_11 = tpu.memref_slice %arg2[%add3A_9] : memref<819200xi32, #tpu.memory_space<hbm>> -> memref<320xi32, #tpu.memory_space<hbm>>
    tpu.enqueue_dma source(%dma_start3A_11 : memref<320xi32, #tpu.memory_space<hbm>>) target(%arg6 : memref<320xi32, #tpu.memory_space<vmem>>) target_semaphore(%arg10 : memref<!tpu.dma_semaphore, #tpu.memory_space<semaphore_mem>>)
    %add3A_12 = arith.constant 0 : i32
    %add3A_13 = arith.addi %mul3A_2, %add3A_12 : i32
    %dma_wait3A = tpu.memref_slice %arg2[%add3A_13] : memref<819200xi32, #tpu.memory_space<hbm>> -> memref<320xi32, #tpu.memory_space<hbm>>
    %dma_wait3A_14 = tpu.memref_slice %arg2[%add3A_13] : memref<819200xi32, #tpu.memory_space<hbm>> -> memref<320xi32, #tpu.memory_space<hbm>>
    tpu.wait_dma2 semaphore(%arg9 : memref<!tpu.dma_semaphore, #tpu.memory_space<semaphore_mem>>) src(%dma_wait3A_14 : memref<320xi32, #tpu.memory_space<hbm>>) dst(%arg5 : memref<320xi32, #tpu.memory_space<vmem>>)
    %dma_start3A_15 = arith.constant 0 : i32
    %dma_start3A_16 = arith.constant 0 : i32
    %dma_start3A_17 = arith.constant 0 : i32
    %dma_start3A_18 = tpu.memref_slice %arg7[%dma_start3A_15, %dma_start3A_16, %dma_start3A_17] : memref<2x320x128xf32, #tpu.memory_space<vmem>> -> memref<1x320x128xf32, #tpu.memory_space<vmem>>
    %dma_start3A_19 = tpu.memref_squeeze %dma_start3A_18 : memref<1x320x128xf32, #tpu.memory_space<vmem>> -> memref<320x128xf32, #tpu.memory_space<vmem>>
    %dma_start3A_20 = arith.constant 0 : i32
    %dma_start3A_21 = arith.constant 0 : i32
    %dma_start3A_22 = tpu.memref_slice %arg8[%dma_start3A_20, %dma_start3A_21] : memref<1000x128xf32, #tpu.memory_space<vmem_shared>> -> memref<1000x128xf32, #tpu.memory_space<vmem_shared>>
    tpu.enqueue_indirect_dma source(%dma_start3A_22 : memref<1000x128xf32, #tpu.memory_space<vmem_shared>>) target(%dma_start3A_19 : memref<320x128xf32, #tpu.memory_space<vmem>>) offsets(%arg5 : memref<320xi32, #tpu.memory_space<vmem>>) semaphore(%arg11 : memref<!tpu.dma_semaphore, #tpu.memory_space<semaphore_mem>>)
    %add3A_23 = arith.constant 320 : i32
    %add3A_24 = arith.addi %mul3A_2, %add3A_23 : i32
    %dma_wait3A_25 = tpu.memref_slice %arg2[%add3A_24] : memref<819200xi32, #tpu.memory_space<hbm>> -> memref<320xi32, #tpu.memory_space<hbm>>
    %dma_wait3A_26 = tpu.memref_slice %arg2[%add3A_24] : memref<819200xi32, #tpu.memory_space<hbm>> -> memref<320xi32, #tpu.memory_space<hbm>>
    tpu.wait_dma2 semaphore(%arg10 : memref<!tpu.dma_semaphore, #tpu.memory_space<semaphore_mem>>) src(%dma_wait3A_26 : memref<320xi32, #tpu.memory_space<hbm>>) dst(%arg6 : memref<320xi32, #tpu.memory_space<vmem>>)
    %dma_wait3A_27 = arith.constant 0 : i32
    %dma_wait3A_28 = arith.constant 0 : i32
    %dma_wait3A_29 = arith.constant 0 : i32
    %dma_wait3A_30 = tpu.memref_slice %arg7[%dma_wait3A_27, %dma_wait3A_28, %dma_wait3A_29] : memref<2x320x128xf32, #tpu.memory_space<vmem>> -> memref<1x320x128xf32, #tpu.memory_space<vmem>>
    %dma_wait3A_31 = tpu.memref_squeeze %dma_wait3A_30 : memref<1x320x128xf32, #tpu.memory_space<vmem>> -> memref<320x128xf32, #tpu.memory_space<vmem>>
    %dma_wait3A_32 = arith.constant 0 : i32
    %dma_wait3A_33 = arith.constant 0 : i32
    %dma_wait3A_34 = tpu.memref_slice %arg8[%dma_wait3A_32, %dma_wait3A_33] : memref<1000x128xf32, #tpu.memory_space<vmem_shared>> -> memref<1000x128xf32, #tpu.memory_space<vmem_shared>>
    tpu.wait_indirect_dma semaphore(%arg11 : memref<!tpu.dma_semaphore, #tpu.memory_space<semaphore_mem>>) src(%dma_wait3A_34 : memref<1000x128xf32, #tpu.memory_space<vmem_shared>>) dst(%dma_wait3A_31 : memref<320x128xf32, #tpu.memory_space<vmem>>)
    %dma_start3A_35 = arith.constant 1 : i32
    %dma_start3A_36 = arith.constant 0 : i32
    %dma_start3A_37 = arith.constant 0 : i32
    %dma_start3A_38 = tpu.memref_slice %arg7[%dma_start3A_35, %dma_start3A_36, %dma_start3A_37] : memref<2x320x128xf32, #tpu.memory_space<vmem>> -> memref<1x320x128xf32, #tpu.memory_space<vmem>>
    %dma_start3A_39 = tpu.memref_squeeze %dma_start3A_38 : memref<1x320x128xf32, #tpu.memory_space<vmem>> -> memref<320x128xf32, #tpu.memory_space<vmem>>
    %dma_start3A_40 = arith.constant 0 : i32
    %dma_start3A_41 = arith.constant 0 : i32
    %dma_start3A_42 = tpu.memref_slice %arg8[%dma_start3A_40, %dma_start3A_41] : memref<1000x128xf32, #tpu.memory_space<vmem_shared>> -> memref<1000x128xf32, #tpu.memory_space<vmem_shared>>
    tpu.enqueue_indirect_dma source(%dma_start3A_42 : memref<1000x128xf32, #tpu.memory_space<vmem_shared>>) target(%dma_start3A_39 : memref<320x128xf32, #tpu.memory_space<vmem>>) offsets(%arg6 : memref<320xi32, #tpu.memory_space<vmem>>) semaphore(%arg12 : memref<!tpu.dma_semaphore, #tpu.memory_space<semaphore_mem>>)
    %add3A_43 = arith.constant 640 : i32
    %add3A_44 = arith.addi %mul3A_2, %add3A_43 : i32
    %dma_start3A_45 = tpu.memref_slice %arg2[%add3A_44] : memref<819200xi32, #tpu.memory_space<hbm>> -> memref<320xi32, #tpu.memory_space<hbm>>
    %dma_start3A_46 = tpu.memref_slice %arg2[%add3A_44] : memref<819200xi32, #tpu.memory_space<hbm>> -> memref<320xi32, #tpu.memory_space<hbm>>
    tpu.enqueue_dma source(%dma_start3A_46 : memref<320xi32, #tpu.memory_space<hbm>>) target(%arg5 : memref<320xi32, #tpu.memory_space<vmem>>) target_semaphore(%arg9 : memref<!tpu.dma_semaphore, #tpu.memory_space<semaphore_mem>>)
    %add3A_47 = arith.constant 0 : i32
    %add3A_48 = arith.addi %mul3A_2, %add3A_47 : i32
    %dma_start3A_49 = arith.constant 0 : i32
    %dma_start3A_50 = arith.constant 0 : i32
    %dma_start3A_51 = arith.constant 0 : i32
    %dma_start3A_52 = tpu.memref_slice %arg7[%dma_start3A_49, %dma_start3A_50, %dma_start3A_51] : memref<2x320x128xf32, #tpu.memory_space<vmem>> -> memref<1x320x128xf32, #tpu.memory_space<vmem>>
    %dma_start3A_53 = tpu.memref_squeeze %dma_start3A_52 : memref<1x320x128xf32, #tpu.memory_space<vmem>> -> memref<320x128xf32, #tpu.memory_space<vmem>>
    %dma_start3A_54 = arith.constant 0 : i32
    %dma_start3A_55 = tpu.memref_slice %arg4[%add3A_48, %dma_start3A_54] : memref<819200x128xf32, #tpu.memory_space<hbm>> -> memref<320x128xf32, #tpu.memory_space<hbm>>
    %dma_start3A_56 = arith.constant 0 : i32
    %dma_start3A_57 = tpu.memref_slice %arg4[%add3A_48, %dma_start3A_56] : memref<819200x128xf32, #tpu.memory_space<hbm>> -> memref<320x128xf32, #tpu.memory_space<hbm>>
    %dma_start3A_58 = arith.constant 0 : i32
    %dma_start3A_59 = arith.constant 0 : i32
    %dma_start3A_60 = tpu.memref_slice %arg7[%dma_start3A_49, %dma_start3A_58, %dma_start3A_59] : memref<2x320x128xf32, #tpu.memory_space<vmem>> -> memref<1x320x128xf32, #tpu.memory_space<vmem>>
    %dma_start3A_61 = tpu.memref_squeeze %dma_start3A_60 : memref<1x320x128xf32, #tpu.memory_space<vmem>> -> memref<320x128xf32, #tpu.memory_space<vmem>>
    tpu.enqueue_dma source(%dma_start3A_61 : memref<320x128xf32, #tpu.memory_space<vmem>>) target(%dma_start3A_57 : memref<320x128xf32, #tpu.memory_space<hbm>>) target_semaphore(%arg13 : memref<!tpu.dma_semaphore, #tpu.memory_space<semaphore_mem>>)
    %scan3A = arith.constant 0 : i32
    %scan3A_62 = arith.constant 0 : i32
    %scan3A_63 = arith.constant 38 : i32
    %scan3A_64 = arith.addi %scan3A_62, %scan3A_63 : i32
    %scan3A_65 = arith.constant 1 : i32
    scf.for %scan3A_224 = %scan3A_62 to %scan3A_64 step %scan3A_65  : i32 {
      %mul3A_225 = arith.constant 2 : i32
      %mul3A_226 = arith.muli %mul3A_225, %scan3A_224 : i32
      %add3A_227 = arith.constant 1 : i32
      %add3A_228 = arith.addi %mul3A_226, %add3A_227 : i32
      %dma_wait3A_229 = arith.constant 1 : i32
      %dma_wait3A_230 = arith.constant 0 : i32
      %dma_wait3A_231 = arith.constant 0 : i32
      %dma_wait3A_232 = tpu.memref_slice %arg7[%dma_wait3A_229, %dma_wait3A_230, %dma_wait3A_231] : memref<2x320x128xf32, #tpu.memory_space<vmem>> -> memref<1x320x128xf32, #tpu.memory_space<vmem>>
      %dma_wait3A_233 = tpu.memref_squeeze %dma_wait3A_232 : memref<1x320x128xf32, #tpu.memory_space<vmem>> -> memref<320x128xf32, #tpu.memory_space<vmem>>
      %dma_wait3A_234 = arith.constant 0 : i32
      %dma_wait3A_235 = arith.constant 0 : i32
      %dma_wait3A_236 = tpu.memref_slice %arg8[%dma_wait3A_234, %dma_wait3A_235] : memref<1000x128xf32, #tpu.memory_space<vmem_shared>> -> memref<1000x128xf32, #tpu.memory_space<vmem_shared>>
      tpu.wait_indirect_dma semaphore(%arg12 : memref<!tpu.dma_semaphore, #tpu.memory_space<semaphore_mem>>) src(%dma_wait3A_236 : memref<1000x128xf32, #tpu.memory_space<vmem_shared>>) dst(%dma_wait3A_233 : memref<320x128xf32, #tpu.memory_space<vmem>>)
      %add3A_237 = arith.constant 1 : i32
      %add3A_238 = arith.addi %add3A_228, %add3A_237 : i32
      %mul3A_239 = arith.constant 320 : i32
      %mul3A_240 = arith.muli %add3A_238, %mul3A_239 : i32
      %add3A_241 = arith.addi %mul3A_2, %mul3A_240 : i32
      %dma_wait3A_242 = tpu.memref_slice %arg2[%add3A_241] : memref<819200xi32, #tpu.memory_space<hbm>> -> memref<320xi32, #tpu.memory_space<hbm>>
      %dma_wait3A_243 = tpu.memref_slice %arg2[%add3A_241] : memref<819200xi32, #tpu.memory_space<hbm>> -> memref<320xi32, #tpu.memory_space<hbm>>
      tpu.wait_dma2 semaphore(%arg9 : memref<!tpu.dma_semaphore, #tpu.memory_space<semaphore_mem>>) src(%dma_wait3A_243 : memref<320xi32, #tpu.memory_space<hbm>>) dst(%arg5 : memref<320xi32, #tpu.memory_space<vmem>>)
      %sub3A = arith.constant 1 : i32
      %sub3A_244 = arith.subi %add3A_228, %sub3A : i32
      %mul3A_245 = arith.constant 320 : i32
      %mul3A_246 = arith.muli %sub3A_244, %mul3A_245 : i32
      %add3A_247 = arith.addi %mul3A_2, %mul3A_246 : i32
      %dma_wait3A_248 = arith.constant 0 : i32
      %dma_wait3A_249 = arith.constant 0 : i32
      %dma_wait3A_250 = arith.constant 0 : i32
      %dma_wait3A_251 = tpu.memref_slice %arg7[%dma_wait3A_248, %dma_wait3A_249, %dma_wait3A_250] : memref<2x320x128xf32, #tpu.memory_space<vmem>> -> memref<1x320x128xf32, #tpu.memory_space<vmem>>
      %dma_wait3A_252 = tpu.memref_squeeze %dma_wait3A_251 : memref<1x320x128xf32, #tpu.memory_space<vmem>> -> memref<320x128xf32, #tpu.memory_space<vmem>>
      %dma_wait3A_253 = arith.constant 0 : i32
      %dma_wait3A_254 = tpu.memref_slice %arg4[%add3A_247, %dma_wait3A_253] : memref<819200x128xf32, #tpu.memory_space<hbm>> -> memref<320x128xf32, #tpu.memory_space<hbm>>
      %dma_wait3A_255 = arith.constant 0 : i32
      %dma_wait3A_256 = tpu.memref_slice %arg4[%add3A_247, %dma_wait3A_255] : memref<819200x128xf32, #tpu.memory_space<hbm>> -> memref<320x128xf32, #tpu.memory_space<hbm>>
      %dma_wait3A_257 = arith.constant 0 : i32
      %dma_wait3A_258 = arith.constant 0 : i32
      %dma_wait3A_259 = tpu.memref_slice %arg7[%dma_wait3A_248, %dma_wait3A_257, %dma_wait3A_258] : memref<2x320x128xf32, #tpu.memory_space<vmem>> -> memref<1x320x128xf32, #tpu.memory_space<vmem>>
      %dma_wait3A_260 = tpu.memref_squeeze %dma_wait3A_259 : memref<1x320x128xf32, #tpu.memory_space<vmem>> -> memref<320x128xf32, #tpu.memory_space<vmem>>
      tpu.wait_dma2 semaphore(%arg13 : memref<!tpu.dma_semaphore, #tpu.memory_space<semaphore_mem>>) src(%dma_wait3A_260 : memref<320x128xf32, #tpu.memory_space<vmem>>) dst(%dma_wait3A_256 : memref<320x128xf32, #tpu.memory_space<hbm>>)
      %dma_start3A_261 = arith.constant 0 : i32
      %dma_start3A_262 = arith.constant 0 : i32
      %dma_start3A_263 = arith.constant 0 : i32
      %dma_start3A_264 = tpu.memref_slice %arg7[%dma_start3A_261, %dma_start3A_262, %dma_start3A_263] : memref<2x320x128xf32, #tpu.memory_space<vmem>> -> memref<1x320x128xf32, #tpu.memory_space<vmem>>
      %dma_start3A_265 = tpu.memref_squeeze %dma_start3A_264 : memref<1x320x128xf32, #tpu.memory_space<vmem>> -> memref<320x128xf32, #tpu.memory_space<vmem>>
      %dma_start3A_266 = arith.constant 0 : i32
      %dma_start3A_267 = arith.constant 0 : i32
      %dma_start3A_268 = tpu.memref_slice %arg8[%dma_start3A_266, %dma_start3A_267] : memref<1000x128xf32, #tpu.memory_space<vmem_shared>> -> memref<1000x128xf32, #tpu.memory_space<vmem_shared>>
      tpu.enqueue_indirect_dma source(%dma_start3A_268 : memref<1000x128xf32, #tpu.memory_space<vmem_shared>>) target(%dma_start3A_265 : memref<320x128xf32, #tpu.memory_space<vmem>>) offsets(%arg5 : memref<320xi32, #tpu.memory_space<vmem>>) semaphore(%arg11 : memref<!tpu.dma_semaphore, #tpu.memory_space<semaphore_mem>>)
      %add3A_269 = arith.constant 2 : i32
      %add3A_270 = arith.addi %add3A_228, %add3A_269 : i32
      %mul3A_271 = arith.constant 320 : i32
      %mul3A_272 = arith.muli %add3A_270, %mul3A_271 : i32
      %add3A_273 = arith.addi %mul3A_2, %mul3A_272 : i32
      %dma_start3A_274 = tpu.memref_slice %arg2[%add3A_273] : memref<819200xi32, #tpu.memory_space<hbm>> -> memref<320xi32, #tpu.memory_space<hbm>>
      %dma_start3A_275 = tpu.memref_slice %arg2[%add3A_273] : memref<819200xi32, #tpu.memory_space<hbm>> -> memref<320xi32, #tpu.memory_space<hbm>>
      tpu.enqueue_dma source(%dma_start3A_275 : memref<320xi32, #tpu.memory_space<hbm>>) target(%arg6 : memref<320xi32, #tpu.memory_space<vmem>>) target_semaphore(%arg10 : memref<!tpu.dma_semaphore, #tpu.memory_space<semaphore_mem>>)
      %mul3A_276 = arith.constant 320 : i32
      %mul3A_277 = arith.muli %add3A_228, %mul3A_276 : i32
      %add3A_278 = arith.addi %mul3A_2, %mul3A_277 : i32
      %dma_start3A_279 = arith.constant 1 : i32
      %dma_start3A_280 = arith.constant 0 : i32
      %dma_start3A_281 = arith.constant 0 : i32
      %dma_start3A_282 = tpu.memref_slice %arg7[%dma_start3A_279, %dma_start3A_280, %dma_start3A_281] : memref<2x320x128xf32, #tpu.memory_space<vmem>> -> memref<1x320x128xf32, #tpu.memory_space<vmem>>
      %dma_start3A_283 = tpu.memref_squeeze %dma_start3A_282 : memref<1x320x128xf32, #tpu.memory_space<vmem>> -> memref<320x128xf32, #tpu.memory_space<vmem>>
      %dma_start3A_284 = arith.constant 0 : i32
      %dma_start3A_285 = tpu.memref_slice %arg4[%add3A_278, %dma_start3A_284] : memref<819200x128xf32, #tpu.memory_space<hbm>> -> memref<320x128xf32, #tpu.memory_space<hbm>>
      %dma_start3A_286 = arith.constant 0 : i32
      %dma_start3A_287 = tpu.memref_slice %arg4[%add3A_278, %dma_start3A_286] : memref<819200x128xf32, #tpu.memory_space<hbm>> -> memref<320x128xf32, #tpu.memory_space<hbm>>
      %dma_start3A_288 = arith.constant 0 : i32
      %dma_start3A_289 = arith.constant 0 : i32
      %dma_start3A_290 = tpu.memref_slice %arg7[%dma_start3A_279, %dma_start3A_288, %dma_start3A_289] : memref<2x320x128xf32, #tpu.memory_space<vmem>> -> memref<1x320x128xf32, #tpu.memory_space<vmem>>
      %dma_start3A_291 = tpu.memref_squeeze %dma_start3A_290 : memref<1x320x128xf32, #tpu.memory_space<vmem>> -> memref<320x128xf32, #tpu.memory_space<vmem>>
      tpu.enqueue_dma source(%dma_start3A_291 : memref<320x128xf32, #tpu.memory_space<vmem>>) target(%dma_start3A_287 : memref<320x128xf32, #tpu.memory_space<hbm>>) target_semaphore(%arg14 : memref<!tpu.dma_semaphore, #tpu.memory_space<semaphore_mem>>)
      %add3A_292 = arith.constant 1 : i32
      %add3A_293 = arith.addi %add3A_228, %add3A_292 : i32
      %dma_wait3A_294 = arith.constant 0 : i32
      %dma_wait3A_295 = arith.constant 0 : i32
      %dma_wait3A_296 = arith.constant 0 : i32
      %dma_wait3A_297 = tpu.memref_slice %arg7[%dma_wait3A_294, %dma_wait3A_295, %dma_wait3A_296] : memref<2x320x128xf32, #tpu.memory_space<vmem>> -> memref<1x320x128xf32, #tpu.memory_space<vmem>>
      %dma_wait3A_298 = tpu.memref_squeeze %dma_wait3A_297 : memref<1x320x128xf32, #tpu.memory_space<vmem>> -> memref<320x128xf32, #tpu.memory_space<vmem>>
      %dma_wait3A_299 = arith.constant 0 : i32
      %dma_wait3A_300 = arith.constant 0 : i32
      %dma_wait3A_301 = tpu.memref_slice %arg8[%dma_wait3A_299, %dma_wait3A_300] : memref<1000x128xf32, #tpu.memory_space<vmem_shared>> -> memref<1000x128xf32, #tpu.memory_space<vmem_shared>>
      tpu.wait_indirect_dma semaphore(%arg11 : memref<!tpu.dma_semaphore, #tpu.memory_space<semaphore_mem>>) src(%dma_wait3A_301 : memref<1000x128xf32, #tpu.memory_space<vmem_shared>>) dst(%dma_wait3A_298 : memref<320x128xf32, #tpu.memory_space<vmem>>)
      %add3A_302 = arith.constant 1 : i32
      %add3A_303 = arith.addi %add3A_293, %add3A_302 : i32
      %mul3A_304 = arith.constant 320 : i32
      %mul3A_305 = arith.muli %add3A_303, %mul3A_304 : i32
      %add3A_306 = arith.addi %mul3A_2, %mul3A_305 : i32
      %dma_wait3A_307 = tpu.memref_slice %arg2[%add3A_306] : memref<819200xi32, #tpu.memory_space<hbm>> -> memref<320xi32, #tpu.memory_space<hbm>>
      %dma_wait3A_308 = tpu.memref_slice %arg2[%add3A_306] : memref<819200xi32, #tpu.memory_space<hbm>> -> memref<320xi32, #tpu.memory_space<hbm>>
      tpu.wait_dma2 semaphore(%arg10 : memref<!tpu.dma_semaphore, #tpu.memory_space<semaphore_mem>>) src(%dma_wait3A_308 : memref<320xi32, #tpu.memory_space<hbm>>) dst(%arg6 : memref<320xi32, #tpu.memory_space<vmem>>)
      %sub3A_309 = arith.constant 1 : i32
      %sub3A_310 = arith.subi %add3A_293, %sub3A_309 : i32
      %mul3A_311 = arith.constant 320 : i32
      %mul3A_312 = arith.muli %sub3A_310, %mul3A_311 : i32
      %add3A_313 = arith.addi %mul3A_2, %mul3A_312 : i32
      %dma_wait3A_314 = arith.constant 1 : i32
      %dma_wait3A_315 = arith.constant 0 : i32
      %dma_wait3A_316 = arith.constant 0 : i32
      %dma_wait3A_317 = tpu.memref_slice %arg7[%dma_wait3A_314, %dma_wait3A_315, %dma_wait3A_316] : memref<2x320x128xf32, #tpu.memory_space<vmem>> -> memref<1x320x128xf32, #tpu.memory_space<vmem>>
      %dma_wait3A_318 = tpu.memref_squeeze %dma_wait3A_317 : memref<1x320x128xf32, #tpu.memory_space<vmem>> -> memref<320x128xf32, #tpu.memory_space<vmem>>
      %dma_wait3A_319 = arith.constant 0 : i32
      %dma_wait3A_320 = tpu.memref_slice %arg4[%add3A_313, %dma_wait3A_319] : memref<819200x128xf32, #tpu.memory_space<hbm>> -> memref<320x128xf32, #tpu.memory_space<hbm>>
      %dma_wait3A_321 = arith.constant 0 : i32
      %dma_wait3A_322 = tpu.memref_slice %arg4[%add3A_313, %dma_wait3A_321] : memref<819200x128xf32, #tpu.memory_space<hbm>> -> memref<320x128xf32, #tpu.memory_space<hbm>>
      %dma_wait3A_323 = arith.constant 0 : i32
      %dma_wait3A_324 = arith.constant 0 : i32
      %dma_wait3A_325 = tpu.memref_slice %arg7[%dma_wait3A_314, %dma_wait3A_323, %dma_wait3A_324] : memref<2x320x128xf32, #tpu.memory_space<vmem>> -> memref<1x320x128xf32, #tpu.memory_space<vmem>>
      %dma_wait3A_326 = tpu.memref_squeeze %dma_wait3A_325 : memref<1x320x128xf32, #tpu.memory_space<vmem>> -> memref<320x128xf32, #tpu.memory_space<vmem>>
      tpu.wait_dma2 semaphore(%arg14 : memref<!tpu.dma_semaphore, #tpu.memory_space<semaphore_mem>>) src(%dma_wait3A_326 : memref<320x128xf32, #tpu.memory_space<vmem>>) dst(%dma_wait3A_322 : memref<320x128xf32, #tpu.memory_space<hbm>>)
      %dma_start3A_327 = arith.constant 1 : i32
      %dma_start3A_328 = arith.constant 0 : i32
      %dma_start3A_329 = arith.constant 0 : i32
      %dma_start3A_330 = tpu.memref_slice %arg7[%dma_start3A_327, %dma_start3A_328, %dma_start3A_329] : memref<2x320x128xf32, #tpu.memory_space<vmem>> -> memref<1x320x128xf32, #tpu.memory_space<vmem>>
      %dma_start3A_331 = tpu.memref_squeeze %dma_start3A_330 : memref<1x320x128xf32, #tpu.memory_space<vmem>> -> memref<320x128xf32, #tpu.memory_space<vmem>>
      %dma_start3A_332 = arith.constant 0 : i32
      %dma_start3A_333 = arith.constant 0 : i32
      %dma_start3A_334 = tpu.memref_slice %arg8[%dma_start3A_332, %dma_start3A_333] : memref<1000x128xf32, #tpu.memory_space<vmem_shared>> -> memref<1000x128xf32, #tpu.memory_space<vmem_shared>>
      tpu.enqueue_indirect_dma source(%dma_start3A_334 : memref<1000x128xf32, #tpu.memory_space<vmem_shared>>) target(%dma_start3A_331 : memref<320x128xf32, #tpu.memory_space<vmem>>) offsets(%arg6 : memref<320xi32, #tpu.memory_space<vmem>>) semaphore(%arg12 : memref<!tpu.dma_semaphore, #tpu.memory_space<semaphore_mem>>)
      %add3A_335 = arith.constant 2 : i32
      %add3A_336 = arith.addi %add3A_293, %add3A_335 : i32
      %mul3A_337 = arith.constant 320 : i32
      %mul3A_338 = arith.muli %add3A_336, %mul3A_337 : i32
      %add3A_339 = arith.addi %mul3A_2, %mul3A_338 : i32
      %dma_start3A_340 = tpu.memref_slice %arg2[%add3A_339] : memref<819200xi32, #tpu.memory_space<hbm>> -> memref<320xi32, #tpu.memory_space<hbm>>
      %dma_start3A_341 = tpu.memref_slice %arg2[%add3A_339] : memref<819200xi32, #tpu.memory_space<hbm>> -> memref<320xi32, #tpu.memory_space<hbm>>
      tpu.enqueue_dma source(%dma_start3A_341 : memref<320xi32, #tpu.memory_space<hbm>>) target(%arg5 : memref<320xi32, #tpu.memory_space<vmem>>) target_semaphore(%arg9 : memref<!tpu.dma_semaphore, #tpu.memory_space<semaphore_mem>>)
      %mul3A_342 = arith.constant 320 : i32
      %mul3A_343 = arith.muli %add3A_293, %mul3A_342 : i32
      %add3A_344 = arith.addi %mul3A_2, %mul3A_343 : i32
      %dma_start3A_345 = arith.constant 0 : i32
      %dma_start3A_346 = arith.constant 0 : i32
      %dma_start3A_347 = arith.constant 0 : i32
      %dma_start3A_348 = tpu.memref_slice %arg7[%dma_start3A_345, %dma_start3A_346, %dma_start3A_347] : memref<2x320x128xf32, #tpu.memory_space<vmem>> -> memref<1x320x128xf32, #tpu.memory_space<vmem>>
      %dma_start3A_349 = tpu.memref_squeeze %dma_start3A_348 : memref<1x320x128xf32, #tpu.memory_space<vmem>> -> memref<320x128xf32, #tpu.memory_space<vmem>>
      %dma_start3A_350 = arith.constant 0 : i32
      %dma_start3A_351 = tpu.memref_slice %arg4[%add3A_344, %dma_start3A_350] : memref<819200x128xf32, #tpu.memory_space<hbm>> -> memref<320x128xf32, #tpu.memory_space<hbm>>
      %dma_start3A_352 = arith.constant 0 : i32
      %dma_start3A_353 = tpu.memref_slice %arg4[%add3A_344, %dma_start3A_352] : memref<819200x128xf32, #tpu.memory_space<hbm>> -> memref<320x128xf32, #tpu.memory_space<hbm>>
      %dma_start3A_354 = arith.constant 0 : i32
      %dma_start3A_355 = arith.constant 0 : i32
      %dma_start3A_356 = tpu.memref_slice %arg7[%dma_start3A_345, %dma_start3A_354, %dma_start3A_355] : memref<2x320x128xf32, #tpu.memory_space<vmem>> -> memref<1x320x128xf32, #tpu.memory_space<vmem>>
      %dma_start3A_357 = tpu.memref_squeeze %dma_start3A_356 : memref<1x320x128xf32, #tpu.memory_space<vmem>> -> memref<320x128xf32, #tpu.memory_space<vmem>>
      tpu.enqueue_dma source(%dma_start3A_357 : memref<320x128xf32, #tpu.memory_space<vmem>>) target(%dma_start3A_353 : memref<320x128xf32, #tpu.memory_space<hbm>>) target_semaphore(%arg13 : memref<!tpu.dma_semaphore, #tpu.memory_space<semaphore_mem>>)
    }
    %scan3A_66 = arith.constant 38 : i32
    %dma_wait3A_67 = arith.constant 1 : i32
    %dma_wait3A_68 = arith.constant 0 : i32
    %dma_wait3A_69 = arith.constant 0 : i32
    %dma_wait3A_70 = tpu.memref_slice %arg7[%dma_wait3A_67, %dma_wait3A_68, %dma_wait3A_69] : memref<2x320x128xf32, #tpu.memory_space<vmem>> -> memref<1x320x128xf32, #tpu.memory_space<vmem>>
    %dma_wait3A_71 = tpu.memref_squeeze %dma_wait3A_70 : memref<1x320x128xf32, #tpu.memory_space<vmem>> -> memref<320x128xf32, #tpu.memory_space<vmem>>
    %dma_wait3A_72 = arith.constant 0 : i32
    %dma_wait3A_73 = arith.constant 0 : i32
    %dma_wait3A_74 = tpu.memref_slice %arg8[%dma_wait3A_72, %dma_wait3A_73] : memref<1000x128xf32, #tpu.memory_space<vmem_shared>> -> memref<1000x128xf32, #tpu.memory_space<vmem_shared>>
    tpu.wait_indirect_dma semaphore(%arg12 : memref<!tpu.dma_semaphore, #tpu.memory_space<semaphore_mem>>) src(%dma_wait3A_74 : memref<1000x128xf32, #tpu.memory_space<vmem_shared>>) dst(%dma_wait3A_71 : memref<320x128xf32, #tpu.memory_space<vmem>>)
    %add3A_75 = arith.constant 24960 : i32
    %add3A_76 = arith.addi %mul3A_2, %add3A_75 : i32
    %dma_wait3A_77 = tpu.memref_slice %arg2[%add3A_76] : memref<819200xi32, #tpu.memory_space<hbm>> -> memref<320xi32, #tpu.memory_space<hbm>>
    %dma_wait3A_78 = tpu.memref_slice %arg2[%add3A_76] : memref<819200xi32, #tpu.memory_space<hbm>> -> memref<320xi32, #tpu.memory_space<hbm>>
    tpu.wait_dma2 semaphore(%arg9 : memref<!tpu.dma_semaphore, #tpu.memory_space<semaphore_mem>>) src(%dma_wait3A_78 : memref<320xi32, #tpu.memory_space<hbm>>) dst(%arg5 : memref<320xi32, #tpu.memory_space<vmem>>)
    %add3A_79 = arith.constant 24320 : i32
    %add3A_80 = arith.addi %mul3A_2, %add3A_79 : i32
    %dma_wait3A_81 = arith.constant 0 : i32
    %dma_wait3A_82 = arith.constant 0 : i32
    %dma_wait3A_83 = arith.constant 0 : i32
    %dma_wait3A_84 = tpu.memref_slice %arg7[%dma_wait3A_81, %dma_wait3A_82, %dma_wait3A_83] : memref<2x320x128xf32, #tpu.memory_space<vmem>> -> memref<1x320x128xf32, #tpu.memory_space<vmem>>
    %dma_wait3A_85 = tpu.memref_squeeze %dma_wait3A_84 : memref<1x320x128xf32, #tpu.memory_space<vmem>> -> memref<320x128xf32, #tpu.memory_space<vmem>>
    %dma_wait3A_86 = arith.constant 0 : i32
    %dma_wait3A_87 = tpu.memref_slice %arg4[%add3A_80, %dma_wait3A_86] : memref<819200x128xf32, #tpu.memory_space<hbm>> -> memref<320x128xf32, #tpu.memory_space<hbm>>
    %dma_wait3A_88 = arith.constant 0 : i32
    %dma_wait3A_89 = tpu.memref_slice %arg4[%add3A_80, %dma_wait3A_88] : memref<819200x128xf32, #tpu.memory_space<hbm>> -> memref<320x128xf32, #tpu.memory_space<hbm>>
    %dma_wait3A_90 = arith.constant 0 : i32
    %dma_wait3A_91 = arith.constant 0 : i32
    %dma_wait3A_92 = tpu.memref_slice %arg7[%dma_wait3A_81, %dma_wait3A_90, %dma_wait3A_91] : memref<2x320x128xf32, #tpu.memory_space<vmem>> -> memref<1x320x128xf32, #tpu.memory_space<vmem>>
    %dma_wait3A_93 = tpu.memref_squeeze %dma_wait3A_92 : memref<1x320x128xf32, #tpu.memory_space<vmem>> -> memref<320x128xf32, #tpu.memory_space<vmem>>
    tpu.wait_dma2 semaphore(%arg13 : memref<!tpu.dma_semaphore, #tpu.memory_space<semaphore_mem>>) src(%dma_wait3A_93 : memref<320x128xf32, #tpu.memory_space<vmem>>) dst(%dma_wait3A_89 : memref<320x128xf32, #tpu.memory_space<hbm>>)
    %dma_start3A_94 = arith.constant 0 : i32
    %dma_start3A_95 = arith.constant 0 : i32
    %dma_start3A_96 = arith.constant 0 : i32
    %dma_start3A_97 = tpu.memref_slice %arg7[%dma_start3A_94, %dma_start3A_95, %dma_start3A_96] : memref<2x320x128xf32, #tpu.memory_space<vmem>> -> memref<1x320x128xf32, #tpu.memory_space<vmem>>
    %dma_start3A_98 = tpu.memref_squeeze %dma_start3A_97 : memref<1x320x128xf32, #tpu.memory_space<vmem>> -> memref<320x128xf32, #tpu.memory_space<vmem>>
    %dma_start3A_99 = arith.constant 0 : i32
    %dma_start3A_100 = arith.constant 0 : i32
    %dma_start3A_101 = tpu.memref_slice %arg8[%dma_start3A_99, %dma_start3A_100] : memref<1000x128xf32, #tpu.memory_space<vmem_shared>> -> memref<1000x128xf32, #tpu.memory_space<vmem_shared>>
    tpu.enqueue_indirect_dma source(%dma_start3A_101 : memref<1000x128xf32, #tpu.memory_space<vmem_shared>>) target(%dma_start3A_98 : memref<320x128xf32, #tpu.memory_space<vmem>>) offsets(%arg5 : memref<320xi32, #tpu.memory_space<vmem>>) semaphore(%arg11 : memref<!tpu.dma_semaphore, #tpu.memory_space<semaphore_mem>>)
    %add3A_102 = arith.constant 25280 : i32
    %add3A_103 = arith.addi %mul3A_2, %add3A_102 : i32
    %dma_start3A_104 = tpu.memref_slice %arg2[%add3A_103] : memref<819200xi32, #tpu.memory_space<hbm>> -> memref<320xi32, #tpu.memory_space<hbm>>
    %dma_start3A_105 = tpu.memref_slice %arg2[%add3A_103] : memref<819200xi32, #tpu.memory_space<hbm>> -> memref<320xi32, #tpu.memory_space<hbm>>
    tpu.enqueue_dma source(%dma_start3A_105 : memref<320xi32, #tpu.memory_space<hbm>>) target(%arg6 : memref<320xi32, #tpu.memory_space<vmem>>) target_semaphore(%arg10 : memref<!tpu.dma_semaphore, #tpu.memory_space<semaphore_mem>>)
    %add3A_106 = arith.constant 24640 : i32
    %add3A_107 = arith.addi %mul3A_2, %add3A_106 : i32
    %dma_start3A_108 = arith.constant 1 : i32
    %dma_start3A_109 = arith.constant 0 : i32
    %dma_start3A_110 = arith.constant 0 : i32
    %dma_start3A_111 = tpu.memref_slice %arg7[%dma_start3A_108, %dma_start3A_109, %dma_start3A_110] : memref<2x320x128xf32, #tpu.memory_space<vmem>> -> memref<1x320x128xf32, #tpu.memory_space<vmem>>
    %dma_start3A_112 = tpu.memref_squeeze %dma_start3A_111 : memref<1x320x128xf32, #tpu.memory_space<vmem>> -> memref<320x128xf32, #tpu.memory_space<vmem>>
    %dma_start3A_113 = arith.constant 0 : i32
    %dma_start3A_114 = tpu.memref_slice %arg4[%add3A_107, %dma_start3A_113] : memref<819200x128xf32, #tpu.memory_space<hbm>> -> memref<320x128xf32, #tpu.memory_space<hbm>>
    %dma_start3A_115 = arith.constant 0 : i32
    %dma_start3A_116 = tpu.memref_slice %arg4[%add3A_107, %dma_start3A_115] : memref<819200x128xf32, #tpu.memory_space<hbm>> -> memref<320x128xf32, #tpu.memory_space<hbm>>
    %dma_start3A_117 = arith.constant 0 : i32
    %dma_start3A_118 = arith.constant 0 : i32
    %dma_start3A_119 = tpu.memref_slice %arg7[%dma_start3A_108, %dma_start3A_117, %dma_start3A_118] : memref<2x320x128xf32, #tpu.memory_space<vmem>> -> memref<1x320x128xf32, #tpu.memory_space<vmem>>
    %dma_start3A_120 = tpu.memref_squeeze %dma_start3A_119 : memref<1x320x128xf32, #tpu.memory_space<vmem>> -> memref<320x128xf32, #tpu.memory_space<vmem>>
    tpu.enqueue_dma source(%dma_start3A_120 : memref<320x128xf32, #tpu.memory_space<vmem>>) target(%dma_start3A_116 : memref<320x128xf32, #tpu.memory_space<hbm>>) target_semaphore(%arg14 : memref<!tpu.dma_semaphore, #tpu.memory_space<semaphore_mem>>)
    %dma_wait3A_121 = arith.constant 0 : i32
    %dma_wait3A_122 = arith.constant 0 : i32
    %dma_wait3A_123 = arith.constant 0 : i32
    %dma_wait3A_124 = tpu.memref_slice %arg7[%dma_wait3A_121, %dma_wait3A_122, %dma_wait3A_123] : memref<2x320x128xf32, #tpu.memory_space<vmem>> -> memref<1x320x128xf32, #tpu.memory_space<vmem>>
    %dma_wait3A_125 = tpu.memref_squeeze %dma_wait3A_124 : memref<1x320x128xf32, #tpu.memory_space<vmem>> -> memref<320x128xf32, #tpu.memory_space<vmem>>
    %dma_wait3A_126 = arith.constant 0 : i32
    %dma_wait3A_127 = arith.constant 0 : i32
    %dma_wait3A_128 = tpu.memref_slice %arg8[%dma_wait3A_126, %dma_wait3A_127] : memref<1000x128xf32, #tpu.memory_space<vmem_shared>> -> memref<1000x128xf32, #tpu.memory_space<vmem_shared>>
    tpu.wait_indirect_dma semaphore(%arg11 : memref<!tpu.dma_semaphore, #tpu.memory_space<semaphore_mem>>) src(%dma_wait3A_128 : memref<1000x128xf32, #tpu.memory_space<vmem_shared>>) dst(%dma_wait3A_125 : memref<320x128xf32, #tpu.memory_space<vmem>>)
    %add3A_129 = arith.constant 25280 : i32
    %add3A_130 = arith.addi %mul3A_2, %add3A_129 : i32
    %dma_wait3A_131 = tpu.memref_slice %arg2[%add3A_130] : memref<819200xi32, #tpu.memory_space<hbm>> -> memref<320xi32, #tpu.memory_space<hbm>>
    %dma_wait3A_132 = tpu.memref_slice %arg2[%add3A_130] : memref<819200xi32, #tpu.memory_space<hbm>> -> memref<320xi32, #tpu.memory_space<hbm>>
    tpu.wait_dma2 semaphore(%arg10 : memref<!tpu.dma_semaphore, #tpu.memory_space<semaphore_mem>>) src(%dma_wait3A_132 : memref<320xi32, #tpu.memory_space<hbm>>) dst(%arg6 : memref<320xi32, #tpu.memory_space<vmem>>)
    %add3A_133 = arith.constant 24640 : i32
    %add3A_134 = arith.addi %mul3A_2, %add3A_133 : i32
    %dma_wait3A_135 = arith.constant 1 : i32
    %dma_wait3A_136 = arith.constant 0 : i32
    %dma_wait3A_137 = arith.constant 0 : i32
    %dma_wait3A_138 = tpu.memref_slice %arg7[%dma_wait3A_135, %dma_wait3A_136, %dma_wait3A_137] : memref<2x320x128xf32, #tpu.memory_space<vmem>> -> memref<1x320x128xf32, #tpu.memory_space<vmem>>
    %dma_wait3A_139 = tpu.memref_squeeze %dma_wait3A_138 : memref<1x320x128xf32, #tpu.memory_space<vmem>> -> memref<320x128xf32, #tpu.memory_space<vmem>>
    %dma_wait3A_140 = arith.constant 0 : i32
    %dma_wait3A_141 = tpu.memref_slice %arg4[%add3A_134, %dma_wait3A_140] : memref<819200x128xf32, #tpu.memory_space<hbm>> -> memref<320x128xf32, #tpu.memory_space<hbm>>
    %dma_wait3A_142 = arith.constant 0 : i32
    %dma_wait3A_143 = tpu.memref_slice %arg4[%add3A_134, %dma_wait3A_142] : memref<819200x128xf32, #tpu.memory_space<hbm>> -> memref<320x128xf32, #tpu.memory_space<hbm>>
    %dma_wait3A_144 = arith.constant 0 : i32
    %dma_wait3A_145 = arith.constant 0 : i32
    %dma_wait3A_146 = tpu.memref_slice %arg7[%dma_wait3A_135, %dma_wait3A_144, %dma_wait3A_145] : memref<2x320x128xf32, #tpu.memory_space<vmem>> -> memref<1x320x128xf32, #tpu.memory_space<vmem>>
    %dma_wait3A_147 = tpu.memref_squeeze %dma_wait3A_146 : memref<1x320x128xf32, #tpu.memory_space<vmem>> -> memref<320x128xf32, #tpu.memory_space<vmem>>
    tpu.wait_dma2 semaphore(%arg14 : memref<!tpu.dma_semaphore, #tpu.memory_space<semaphore_mem>>) src(%dma_wait3A_147 : memref<320x128xf32, #tpu.memory_space<vmem>>) dst(%dma_wait3A_143 : memref<320x128xf32, #tpu.memory_space<hbm>>)
    %dma_start3A_148 = arith.constant 1 : i32
    %dma_start3A_149 = arith.constant 0 : i32
    %dma_start3A_150 = arith.constant 0 : i32
    %dma_start3A_151 = tpu.memref_slice %arg7[%dma_start3A_148, %dma_start3A_149, %dma_start3A_150] : memref<2x320x128xf32, #tpu.memory_space<vmem>> -> memref<1x320x128xf32, #tpu.memory_space<vmem>>
    %dma_start3A_152 = tpu.memref_squeeze %dma_start3A_151 : memref<1x320x128xf32, #tpu.memory_space<vmem>> -> memref<320x128xf32, #tpu.memory_space<vmem>>
    %dma_start3A_153 = arith.constant 0 : i32
    %dma_start3A_154 = arith.constant 0 : i32
    %dma_start3A_155 = tpu.memref_slice %arg8[%dma_start3A_153, %dma_start3A_154] : memref<1000x128xf32, #tpu.memory_space<vmem_shared>> -> memref<1000x128xf32, #tpu.memory_space<vmem_shared>>
    tpu.enqueue_indirect_dma source(%dma_start3A_155 : memref<1000x128xf32, #tpu.memory_space<vmem_shared>>) target(%dma_start3A_152 : memref<320x128xf32, #tpu.memory_space<vmem>>) offsets(%arg6 : memref<320xi32, #tpu.memory_space<vmem>>) semaphore(%arg12 : memref<!tpu.dma_semaphore, #tpu.memory_space<semaphore_mem>>)
    %add3A_156 = arith.constant 24960 : i32
    %add3A_157 = arith.addi %mul3A_2, %add3A_156 : i32
    %dma_start3A_158 = arith.constant 0 : i32
    %dma_start3A_159 = arith.constant 0 : i32
    %dma_start3A_160 = arith.constant 0 : i32
    %dma_start3A_161 = tpu.memref_slice %arg7[%dma_start3A_158, %dma_start3A_159, %dma_start3A_160] : memref<2x320x128xf32, #tpu.memory_space<vmem>> -> memref<1x320x128xf32, #tpu.memory_space<vmem>>
    %dma_start3A_162 = tpu.memref_squeeze %dma_start3A_161 : memref<1x320x128xf32, #tpu.memory_space<vmem>> -> memref<320x128xf32, #tpu.memory_space<vmem>>
    %dma_start3A_163 = arith.constant 0 : i32
    %dma_start3A_164 = tpu.memref_slice %arg4[%add3A_157, %dma_start3A_163] : memref<819200x128xf32, #tpu.memory_space<hbm>> -> memref<320x128xf32, #tpu.memory_space<hbm>>
    %dma_start3A_165 = arith.constant 0 : i32
    %dma_start3A_166 = tpu.memref_slice %arg4[%add3A_157, %dma_start3A_165] : memref<819200x128xf32, #tpu.memory_space<hbm>> -> memref<320x128xf32, #tpu.memory_space<hbm>>
    %dma_start3A_167 = arith.constant 0 : i32
    %dma_start3A_168 = arith.constant 0 : i32
    %dma_start3A_169 = tpu.memref_slice %arg7[%dma_start3A_158, %dma_start3A_167, %dma_start3A_168] : memref<2x320x128xf32, #tpu.memory_space<vmem>> -> memref<1x320x128xf32, #tpu.memory_space<vmem>>
    %dma_start3A_170 = tpu.memref_squeeze %dma_start3A_169 : memref<1x320x128xf32, #tpu.memory_space<vmem>> -> memref<320x128xf32, #tpu.memory_space<vmem>>
    tpu.enqueue_dma source(%dma_start3A_170 : memref<320x128xf32, #tpu.memory_space<vmem>>) target(%dma_start3A_166 : memref<320x128xf32, #tpu.memory_space<hbm>>) target_semaphore(%arg13 : memref<!tpu.dma_semaphore, #tpu.memory_space<semaphore_mem>>)
    %dma_wait3A_171 = arith.constant 1 : i32
    %dma_wait3A_172 = arith.constant 0 : i32
    %dma_wait3A_173 = arith.constant 0 : i32
    %dma_wait3A_174 = tpu.memref_slice %arg7[%dma_wait3A_171, %dma_wait3A_172, %dma_wait3A_173] : memref<2x320x128xf32, #tpu.memory_space<vmem>> -> memref<1x320x128xf32, #tpu.memory_space<vmem>>
    %dma_wait3A_175 = tpu.memref_squeeze %dma_wait3A_174 : memref<1x320x128xf32, #tpu.memory_space<vmem>> -> memref<320x128xf32, #tpu.memory_space<vmem>>
    %dma_wait3A_176 = arith.constant 0 : i32
    %dma_wait3A_177 = arith.constant 0 : i32
    %dma_wait3A_178 = tpu.memref_slice %arg8[%dma_wait3A_176, %dma_wait3A_177] : memref<1000x128xf32, #tpu.memory_space<vmem_shared>> -> memref<1000x128xf32, #tpu.memory_space<vmem_shared>>
    tpu.wait_indirect_dma semaphore(%arg12 : memref<!tpu.dma_semaphore, #tpu.memory_space<semaphore_mem>>) src(%dma_wait3A_178 : memref<1000x128xf32, #tpu.memory_space<vmem_shared>>) dst(%dma_wait3A_175 : memref<320x128xf32, #tpu.memory_space<vmem>>)
    %add3A_179 = arith.constant 24960 : i32
    %add3A_180 = arith.addi %mul3A_2, %add3A_179 : i32
    %dma_wait3A_181 = arith.constant 0 : i32
    %dma_wait3A_182 = arith.constant 0 : i32
    %dma_wait3A_183 = arith.constant 0 : i32
    %dma_wait3A_184 = tpu.memref_slice %arg7[%dma_wait3A_181, %dma_wait3A_182, %dma_wait3A_183] : memref<2x320x128xf32, #tpu.memory_space<vmem>> -> memref<1x320x128xf32, #tpu.memory_space<vmem>>
    %dma_wait3A_185 = tpu.memref_squeeze %dma_wait3A_184 : memref<1x320x128xf32, #tpu.memory_space<vmem>> -> memref<320x128xf32, #tpu.memory_space<vmem>>
    %dma_wait3A_186 = arith.constant 0 : i32
    %dma_wait3A_187 = tpu.memref_slice %arg4[%add3A_180, %dma_wait3A_186] : memref<819200x128xf32, #tpu.memory_space<hbm>> -> memref<320x128xf32, #tpu.memory_space<hbm>>
    %dma_wait3A_188 = arith.constant 0 : i32
    %dma_wait3A_189 = tpu.memref_slice %arg4[%add3A_180, %dma_wait3A_188] : memref<819200x128xf32, #tpu.memory_space<hbm>> -> memref<320x128xf32, #tpu.memory_space<hbm>>
    %dma_wait3A_190 = arith.constant 0 : i32
    %dma_wait3A_191 = arith.constant 0 : i32
    %dma_wait3A_192 = tpu.memref_slice %arg7[%dma_wait3A_181, %dma_wait3A_190, %dma_wait3A_191] : memref<2x320x128xf32, #tpu.memory_space<vmem>> -> memref<1x320x128xf32, #tpu.memory_space<vmem>>
    %dma_wait3A_193 = tpu.memref_squeeze %dma_wait3A_192 : memref<1x320x128xf32, #tpu.memory_space<vmem>> -> memref<320x128xf32, #tpu.memory_space<vmem>>
    tpu.wait_dma2 semaphore(%arg13 : memref<!tpu.dma_semaphore, #tpu.memory_space<semaphore_mem>>) src(%dma_wait3A_193 : memref<320x128xf32, #tpu.memory_space<vmem>>) dst(%dma_wait3A_189 : memref<320x128xf32, #tpu.memory_space<hbm>>)
    %add3A_194 = arith.constant 25280 : i32
    %add3A_195 = arith.addi %mul3A_2, %add3A_194 : i32
    %dma_start3A_196 = arith.constant 1 : i32
    %dma_start3A_197 = arith.constant 0 : i32
    %dma_start3A_198 = arith.constant 0 : i32
    %dma_start3A_199 = tpu.memref_slice %arg7[%dma_start3A_196, %dma_start3A_197, %dma_start3A_198] : memref<2x320x128xf32, #tpu.memory_space<vmem>> -> memref<1x320x128xf32, #tpu.memory_space<vmem>>
    %dma_start3A_200 = tpu.memref_squeeze %dma_start3A_199 : memref<1x320x128xf32, #tpu.memory_space<vmem>> -> memref<320x128xf32, #tpu.memory_space<vmem>>
    %dma_start3A_201 = arith.constant 0 : i32
    %dma_start3A_202 = tpu.memref_slice %arg4[%add3A_195, %dma_start3A_201] : memref<819200x128xf32, #tpu.memory_space<hbm>> -> memref<320x128xf32, #tpu.memory_space<hbm>>
    %dma_start3A_203 = arith.constant 0 : i32
    %dma_start3A_204 = tpu.memref_slice %arg4[%add3A_195, %dma_start3A_203] : memref<819200x128xf32, #tpu.memory_space<hbm>> -> memref<320x128xf32, #tpu.memory_space<hbm>>
    %dma_start3A_205 = arith.constant 0 : i32
    %dma_start3A_206 = arith.constant 0 : i32
    %dma_start3A_207 = tpu.memref_slice %arg7[%dma_start3A_196, %dma_start3A_205, %dma_start3A_206] : memref<2x320x128xf32, #tpu.memory_space<vmem>> -> memref<1x320x128xf32, #tpu.memory_space<vmem>>
    %dma_start3A_208 = tpu.memref_squeeze %dma_start3A_207 : memref<1x320x128xf32, #tpu.memory_space<vmem>> -> memref<320x128xf32, #tpu.memory_space<vmem>>
    tpu.enqueue_dma source(%dma_start3A_208 : memref<320x128xf32, #tpu.memory_space<vmem>>) target(%dma_start3A_204 : memref<320x128xf32, #tpu.memory_space<hbm>>) target_semaphore(%arg14 : memref<!tpu.dma_semaphore, #tpu.memory_space<semaphore_mem>>)
    %add3A_209 = arith.constant 25280 : i32
    %add3A_210 = arith.addi %mul3A_2, %add3A_209 : i32
    %dma_wait3A_211 = arith.constant 1 : i32
    %dma_wait3A_212 = arith.constant 0 : i32
    %dma_wait3A_213 = arith.constant 0 : i32
    %dma_wait3A_214 = tpu.memref_slice %arg7[%dma_wait3A_211, %dma_wait3A_212, %dma_wait3A_213] : memref<2x320x128xf32, #tpu.memory_space<vmem>> -> memref<1x320x128xf32, #tpu.memory_space<vmem>>
    %dma_wait3A_215 = tpu.memref_squeeze %dma_wait3A_214 : memref<1x320x128xf32, #tpu.memory_space<vmem>> -> memref<320x128xf32, #tpu.memory_space<vmem>>
    %dma_wait3A_216 = arith.constant 0 : i32
    %dma_wait3A_217 = tpu.memref_slice %arg4[%add3A_210, %dma_wait3A_216] : memref<819200x128xf32, #tpu.memory_space<hbm>> -> memref<320x128xf32, #tpu.memory_space<hbm>>
    %dma_wait3A_218 = arith.constant 0 : i32
    %dma_wait3A_219 = tpu.memref_slice %arg4[%add3A_210, %dma_wait3A_218] : memref<819200x128xf32, #tpu.memory_space<hbm>> -> memref<320x128xf32, #tpu.memory_space<hbm>>
    %dma_wait3A_220 = arith.constant 0 : i32
    %dma_wait3A_221 = arith.constant 0 : i32
    %dma_wait3A_222 = tpu.memref_slice %arg7[%dma_wait3A_211, %dma_wait3A_220, %dma_wait3A_221] : memref<2x320x128xf32, #tpu.memory_space<vmem>> -> memref<1x320x128xf32, #tpu.memory_space<vmem>>
    %dma_wait3A_223 = tpu.memref_squeeze %dma_wait3A_222 : memref<1x320x128xf32, #tpu.memory_space<vmem>> -> memref<320x128xf32, #tpu.memory_space<vmem>>
    tpu.wait_dma2 semaphore(%arg14 : memref<!tpu.dma_semaphore, #tpu.memory_space<semaphore_mem>>) src(%dma_wait3A_223 : memref<320x128xf32, #tpu.memory_space<vmem>>) dst(%dma_wait3A_219 : memref<320x128xf32, #tpu.memory_space<hbm>>)
    return
  }
}

</mosaic_0001>

<sc_bundles>
// kernel: kernel.3.cloned.1.call-start
scs
__scs_entry_jumppad:
0x0: {  	(pc) =	sbr.rel $0x88, $3  }
0x1: {  	(tag) =	ssettag $0x0;
	lr =	simm.s32 $0x1  }
0x2: {  	[smem:$0x3F9F] =	sst lr;
	_ =	strace $0xD0000000  }
0x3: {  	_ = 	snop  }
0x4: {  	_ = 	snop  }
0x5: {  	_ = 	snop  }
0x6: {  	_ = 	snop  }
0x7: {  	_ = 	snop  }
__scs_overlays_trampoline_lowered:
0x8: {  	[smem:$0x3FAE] =	sst s0  }
0x9: {  	[smem:$0x3FAF] =	sst s1  }
0xa: {  	[smem:$0x3FB0] =	sst s2  }
0xb: {  	[smem:$0x3FB1] =	sst s3  }
0xc: {  	[smem:$0x3FB2] =	sst s4  }
0xd: {  	[smem:$0x3FB3] =	sst s5  }
0xe: {  	[smem:$0x3FB4] =	sst s6  }
0xf: {  	[smem:$0x3FB5] =	sst s7  }
0x10: {  	[smem:$0x3FB6] =	sst s8  }
0x11: {  	[smem:$0x3FB7] =	sst s9;
	s0 =	simm.s32 @!p0 $0x0  }
0x12: {  	s1 =	sld [smem:$0x3F9D];
	s0 =	simm.s32 @p0 $0x1  }
0x13: {  	[smem:$0x3FB8] =	sst s0;
	s0 =	simm.s32 @!p1 $0x0  }
0x14: {  	s2 =	sld [smem:$0x3F9C];
	s0 =	simm.s32 @p1 $0x1  }
0x15: {  	[smem:$0x3FB9] =	sst s0;
	s0 =	simm.s32 @!p2 $0x0  }
0x16: {  	s3 =	sld [smem:$0x3FDB];
	s0 =	simm.s32 @p2 $0x1  }
0x17: {  	s4 =	simm.s32 $0x1BF5;
	[smem:$0x3FBB] =	sst s0  }
0x18: {  	s0 =	sld [smem:$0x3F9E];
	_ =	swait.ge [sflag:s4], $0x0  }
0x19: {  	s7 =	sld [smem:$0x3F9F]  }
0x1a: {  	s8 =	sadd.s32 $0xFFFFE003, lr  }
0x1b: {  	s9 =	sadd.s32 $0xFFFFFEF7, lr;
	s5 =	simm.s32 $0xFFFFFFFF;
	p2 =	slt.u32 s8, $0xFFFFF086  }
0x1c: {  	p1 =	slt.u32 s9, $0xF7A;
	s5 =	simm.s32 @!p2 $0x0  }
0x1d: {  	s5 =	simm.s32 @p1 $0x1;
	p0 =	seq.s32 s7, s2  }
0x1e: {  	s7 =	smul.u32 @!p0 $0xF7A, s2;
	p2 =	seq.s32 @!p0 s5, $0x0  }
0x1f: {  	s9 =	smul.u32 $0xF7A, s1;
	s8 =	simm.s32 @!p0 $0x1BF5;
	p2 =	por !p2, p0  }
0x20: {  	[sflag:s8] =	ssyncset.s32 @!p0 $0xFFFFF086;
	s6 =	sadd.s32 @!p0 s3, s7;
	s7 =	simm.s32 @!p0 $0x108  }
0x21: {  	s3 =	sadd.s32 s3, s9;
	s6 =	sadd.s32 @!p0 $0x88, s6;
	s7 =	simm.s32 @p2 $0x1082  }
0x22: {  	[simem:s7], [sflag:s8] =	dma.local @!p0 [hbm:s6], $0xF7A  }
0x23: {  	s9 =	sor.u32 $0xD0000000, s2;
	s6 =	simm.s32 $0x108;
	_ =	swait.ge @!p0 [sflag:s8], $0x0  }
0x24: {  	s3 =	sadd.s32 $0x88, s3;
	s6 =	simm.s32 @!p1 $0x1082;
	[sflag:s4] =	ssyncset.s32 $0xFFFFF086  }
0x25: {  	[simem:s6], [sflag:s4] =	dma.local [hbm:s3], $0xF7A  }
0x26: {  	[smem:$0x3F9F] =	sst s1;
	(tag) =	ssettag s2;
	_ =	strace s9  }
0x27: {  	s1 =	sld [smem:$0x3FAF]  }
0x28: {  	s2 =	sld [smem:$0x3FB0]  }
0x29: {  	s4 =	sld [smem:$0x3FB2]  }
0x2a: {  	p0 =	seq.s32 s5, $0x0;
	s5 =	sld [smem:$0x3FB3]  }
0x2b: {  	s6 =	sld [smem:$0x3FB4]  }
0x2c: {  	s7 =	sld [smem:$0x3FB5]  }
0x2d: {  	s3 =	simm.s32 $0x108;
	s8 =	sld [smem:$0x3FB6]  }
0x2e: {  	s3 =	simm.s32 @!p0 $0x1082;
	s9 =	sld [smem:$0x3FB7]  }
0x2f: {  	lr =	sadd.s32 s0, s3;
	s0 =	sld [smem:$0x3FAE]  }
0x30: {  	s3 =	sld [smem:$0x3FB1]  }
0x31: {  	[smem:$0x3FBA] =	sst s10  }
0x32: {  	s10 =	sld [smem:$0x3FB8];
	_ =	sdelay $0x3  }
0x33: {  	p0 =	seq.s32 s10, $0x1;
	s10 =	sld [smem:$0x3FBA];
	_ =	sdelay $0x3  }
0x34: {  	[smem:$0x3FBA] =	sst s10  }
0x35: {  	s10 =	sld [smem:$0x3FB9];
	_ =	sdelay $0x3  }
0x36: {  	p1 =	seq.s32 s10, $0x1;
	s10 =	sld [smem:$0x3FBA];
	_ =	sdelay $0x3  }
0x37: {  	[smem:$0x3FBA] =	sst s10  }
0x38: {  	s10 =	sld [smem:$0x3FBB]  }
0x39: {  	_ = 	snop;
	(pc) =	sbr.ind lr, $3  }
0x3a: {  	_ = 	snop  }
0x3b: {  	_ = 	snop  }
0x3c: {  	p2 =	seq.s32 s10, $0x1;
	s10 =	sld [smem:$0x3FBA]  }
0x3d: {  	_ =	shalt  }
0x3e: {  	_ =	shalt  }
0x3f: {  	_ =	shalt  }
0x40: {  	_ =	shalt  }
0x41: {  	_ =	shalt  }
0x42: {  	_ =	shalt  }
0x43: {  	_ =	shalt  }
0x44: {  	_ =	shalt  }
0x45: {  	_ =	shalt  }
0x46: {  	_ =	shalt  }
0x47: {  	_ =	shalt  }
0x48: {  	_ =	shalt  }
0x49: {  	_ =	shalt  }
0x4a: {  	_ =	shalt  }
0x4b: {  	_ =	shalt  }
0x4c: {  	_ =	shalt  }
0x4d: {  	_ =	shalt  }
0x4e: {  	_ =	shalt  }
0x4f: {  	_ =	shalt  }
0x50: {  	_ =	shalt  }
0x51: {  	_ =	shalt  }
0x52: {  	_ =	shalt  }
0x53: {  	_ =	shalt  }
0x54: {  	_ =	shalt  }
0x55: {  	_ =	shalt  }
0x56: {  	_ =	shalt  }
0x57: {  	_ =	shalt  }
0x58: {  	_ =	shalt  }
0x59: {  	_ =	shalt  }
0x5a: {  	_ =	shalt  }
0x5b: {  	_ =	shalt  }
0x5c: {  	_ =	shalt  }
0x5d: {  	_ =	shalt  }
0x5e: {  	_ =	shalt  }
0x5f: {  	_ =	shalt  }
0x60: {  	_ =	shalt  }
0x61: {  	_ =	shalt  }
0x62: {  	_ =	shalt  }
0x63: {  	_ =	shalt  }
0x64: {  	_ =	shalt  }
0x65: {  	_ =	shalt  }
0x66: {  	_ =	shalt  }
0x67: {  	_ =	shalt  }
0x68: {  	_ =	shalt  }
0x69: {  	_ =	shalt  }
0x6a: {  	_ =	shalt  }
0x6b: {  	_ =	shalt  }
0x6c: {  	_ =	shalt  }
0x6d: {  	_ =	shalt  }
0x6e: {  	_ =	shalt  }
0x6f: {  	_ =	shalt  }
0x70: {  	_ =	shalt  }
0x71: {  	_ =	shalt  }
0x72: {  	_ =	shalt  }
0x73: {  	_ =	shalt  }
0x74: {  	_ =	shalt  }
0x75: {  	_ =	shalt  }
0x76: {  	_ =	shalt  }
0x77: {  	_ =	shalt  }
0x78: {  	_ =	shalt  }
0x79: {  	_ =	shalt  }
0x7a: {  	_ =	shalt  }
0x7b: {  	_ =	shalt  }
0x7c: {  	_ =	shalt  }
0x7d: {  	_ =	shalt  }
0x7e: {  	_ =	shalt  }
0x7f: {  	_ =	shalt  }
0x80: {  	_ =	shalt  }
0x81: {  	_ =	shalt  }
0x82: {  	_ =	shalt  }
0x83: {  	_ =	shalt  }
0x84: {  	_ =	shalt  }
0x85: {  	_ =	shalt  }
0x86: {  	_ =	shalt  }
0x87: {  	_ =	shalt  }
.Lfunc_end0:
.L_simem_size_0:
called_computation_lowered:
.L_overlay_start_0:
0x88: {  	s2 =	sld [smem:$0x3FD9]  }
0x89: {  	s3 =	sld [smem:$0x3FFE];
	_ =	sdelay $0x1  }
0x8a: {  	s1 =	srdreg.scid  }
0x8b: {  	s0 =	sand.u32 $0x1, s1  }
0x8c: {  	s17 =	sshll.u32 s0, $0xA;
	s2 =	sadd.s32 s3, s2  }
0x8d: {  	s2 =	sadd.s32 s2, s17  }
0x8e: {  	[smem:$0x3FC6] =	sst s2  }
0x8f: {  	_ = 	snop  }
0x90: {  	s2 =	sld [smem:$0x3FC8]  }
0x91: {  	s18 =	sld [smem:$0x3FD0];
	(tm) =	ssettm $0x1  }
0x92: {  	s4 =	sld [smem:$0x3FFB];
	_ =	sdelay $0x3  }
0x93: {  	_ =	strace s4  }
0x94: {  	s4 =	sld [smem:$0x3FFC];
	_ =	sdelay $0x3  }
0x95: {  	_ =	strace s4  }
0x96: {  	s4 =	sld [smem:$0x3FFD];
	_ =	sdelay $0x3  }
0x97: {  	_ =	strace s4  }
0x98: {  	_ =	strace $0x8FFFFFFF  }
0x99: {  	s19 =	sld [smem:$0x3FDB];
	_ =	sdelay $0x1  }
0x9a: {  	s5 =	simm.s32 $_scs_section_size  }
0x9b: {  	s6 =	simm.s32 $_size__tile_overlayer_lowered;
	s7 =	simm.s32 $_tile_overlayer_lowered  }
0x9c: {  	s22 =	simm.s32 $0x1BFF;
	s21 =	sshll.u32 s7, $0x1;
	s4 =	sadd.s32 s5, s19  }
0x9d: {  	s8 =	simm.s32 $0x0;
	s20 =	sshll.u32 s6, $0x1;
	s6 =	sadd.s32 s21, s4  }
0x9e: {  	[timem:s8], [sflag:s22] =	dma.local [hbm:s6], s20  }
0x9f: {  	_ =	swait.ge [sflag:s22], s20  }
0xa0: {  	s5 =	ssub.s32 $0x0, s20;
	[sflag:s22] =	ssyncset.done $0x0  }
0xa1: {  	[sflag:s22] =	ssyncadd.s32 s5;
	_ =	sdelay $0x1  }
0xa2: {  	s23 =	simm.s32 $0x1B8B  }
0xa3: {  	_ =	swait.ge [sflag:s23], $0x1  }
0xa4: {  	[sflag:s23] =	ssyncset.done $0x0  }
0xa5: {  	s25 =	simm.s32 $0x1B8E;
	s24 =	sld [smem:$0x3FFE];
	[sflag:s23] =	ssyncadd.s32 $0xFFFFFFFF  }
0xa6: {  	s26 =	simm.s32 $execute0_lowered;
	[smem:$0x3FD2] =	sst s25  }
0xa7: {  	s6 =	sshll.u32 s26, $0x1;
	_ =	strace $0x80000046;
	[dreg:$0x1] =	wrdreg $0xFFFFFFFF  }
0xa8: {  	s28 =	simm.s32 $_size_execute0_lowered;
	s4 =	sadd.s32 s4, s6;
	[dreg:$0x0] =	wrdreg $0x0  }
0xa9: {  	s6 =	sshll.u32 s28, $0x1;
	[dreg:$0x2] =	wrdreg s4  }
0xaa: {  	[dreg:$0x3] =	wrdreg s6  }
0xab: {  	[dreg:$0x4] =	wrdreg $0xC0  }
0xac: {  	_ =	task [dreg:s8], $0x5FFFF  }
0xad: {  	[dreg:$0x1] =	wrdreg $0xFFFFFFFF  }
0xae: {  	[dreg:$0x0] =	wrdreg $0x60  }
0xaf: {  	[dreg:$0x2] =	wrdreg s24  }
0xb0: {  	[dreg:$0x3] =	wrdreg s2  }
0xb1: {  	[dreg:$0x4] =	wrdreg s18  }
0xb2: {  	[dreg:$0x5] =	wrdreg $0x143000  }
0xb3: {  	[dreg:$0x6] =	wrdreg $0x9  }
0xb4: {  	_ =	task.clear_ibuf [dreg:s8], $0x7FFFF;
	_ =	strace $0x90000046  }
0xb5: {  	s29 =	simm.s32 $0x9;
	_ =	strace $0x80000048  }
0xb6: {  	_ =	swait.ge [sflag:s29], $0x1  }
0xb7: {  	[sflag:s29] =	ssyncadd.s32 $0xFFFFFFFF  }
0xb8: {  	_ =	strace $0x90000048  }
0xb9: {  	_ =	sfence  }
0xba: {  	s30 =	sld [smem:$0x0];
	_ =	sdelay $0x2  }
0xbb: {  	s31 =	sshll.u32 s1, $0xD;
	s1 =	sshrl.u32 s1, $0x2  }
0xbc: {  	s3 =	sand.u32 $0x4000, s31;
	s1 =	sadd.s32 s1, s30  }
0xbd: {  	s0 =	sor.u32 s3, s0;
	s1 =	sshll.u32 s1, $0x11  }
0xbe: {  	s0 =	sor.u32 s1, s0  }
0xbf: {  	s0 =	sadd.s32 $0x8F2B, s0  }
0xc0: {  	[sflag:s0] =	ssyncadd.remote.s32 $0x1  }
0xc1: {  	_ =	sfence.sel $0xFFFF  }
0xc2: {  	[dreg:$0x0] =	wrdreg $0xFFFFFFFF;
	(pc) =	sbr.abs _section_cstart, $3  }
0xc3: {  	[dreg:$0x1] =	wrdreg $0xFFFFFFFF  }
0xc4: {  	_ =	task.clear_ibuf [dreg:s8], $0x2FFFF;
	_ =	strace $0x9FFFFFFF  }
0xc5: {  	(tm) =	ssettm $0x7FFFFFFF  }
tec
execute0_lowered:
.L_overlay_start_1:
0x0: {  	(tag) =	ssettag $0x1  }
0x1: {  	s4 =	rddreg [dreg:$0x0]  }
0x2: {  	s0 =	rddreg [dreg:$0x1]  }
0x3: {  	s13 =	rddreg [dreg:$0x2];
	s1 =	srdreg.scid  }
0x4: {  	s16 =	stileid.u32;
	s2 =	rddreg [dreg:$0x3];
	s3 =	simm.s32 $0x0  }
0x5: {  	s20 =	simm.s32 $0x300;
	s21 =	simm.s32 $0x2;
	s22 =	simm.s32 $0x3  }
0x6: {  	s23 =	simm.s32 $0xA300;
	s24 =	simm.s32 $0x4;
	s17 =	smul.u32 $0xC800, s16  }
0x7: {  	s25 =	simm.s32 $0x5;
	s14 =	sand.u32 $0x1, s1;
	s31 =	smul.u32 $0xC8000, s16  }
0x8: {  	s28 =	simm.s32 $0x0;
	s5 =	sshll.u32 s16, $0x1;
	s18 =	smul.u32 $0x6400, s14  }
0x9: {  	s6 =	sor.u32 s14, s5;
	s26 =	ssub.s32 $0x2, s14;
	s14 =	smul.u32 $0x64000, s14  }
0xa: {  	[smem:$0x7FF] =	sst s3;
	s15 =	sadd.s32 $0x400, s4;
	s8 =	smul.u32 $0x6400, s6  }
0xb: {  	p0 =	sne.s32 s16, $0x0;
	_ =	strace $0x80000047;
	s9 =	smul.u32 $0x64000, s6  }
0xc: {  	s16 =	sshrl.u32 @!p0 s2, $0x3;
	s7 =	sshrl.u32 s26, $0x1;
	s10 =	smul.u32 $0x320000, s6  }
0xd: {  	s12 =	ssub.s32 s26, s7;
	s17 =	sadd.s32 s18, s17;
	s18 =	sadd.s32 s31, s13  }
0xe: {  	s26 =	simm.s32 $0x6;
	s29 =	sshrl.u32 s8, $0x3;
	s7 =	sadd.s32 s13, s9  }
0xf: {  	s11 =	sadd.s32 $0x62C0, s8;
	s30 =	sshrl.u32 s10, $0x3;
	s12 =	smax.u32 s12, $0x1  }
0x10: {  	s19 =	sadd.s32 $0x500, s17;
	s17 =	sor.u32 $0x3C0, s17;
	s14 =	sadd.s32 s14, s18  }
0x11: {  	s18 =	simm.s32 $0x1;
	s4 =	sadd.s32 s15, s29;
	s8 =	sshrl.u32 s11, $0x3  }
0x12: {  	s10 =	sadd.s32 s13, s30;
	s11 =	sshll.u32 s11, $0x4;
	s19 =	sshrl.u32 s19, $0x3  }
0x13: {  	s17 =	sshrl.u32 s17, $0x3;
	s14 =	sadd.s32 $0x1400, s14;
	s5 =	sadd.s32 $0x28, s4  }
0x14: {  	s6 =	sadd.s32 $0x50, s4;
	s8 =	sadd.s32 s15, s8;
	s9 =	sadd.s32 $0x60400, s10  }
0x15: {  	s10 =	sadd.s32 $0x61800, s10;
	s11 =	sadd.s32 s13, s11;
	s13 =	sadd.s32 s19, s15  }
0x16: {  	s15 =	sadd.s32 s17, s15;
	s17 =	simm.s32 $0x180;
	s19 =	simm.s32 $0x140  }
.LBB2_1:
0x17: {  	s29 =	simm.s32 @!p0 $0x1C07  }
0x18: {  	[spmem:s16], [sflag:s29] =	dma.local @!p0 [hbm:s0], $0x3E80  }
0x19: {  	s29 =	simm.s32 @!p0 $0x7  }
0x1a: {  	_ =	swait.ge @!p0 [sflag:s29], $0x3E80  }
0x1b: {  	[sflag:s29] =	ssyncset.done @!p0 $0x0  }
0x1c: {  	[sflag:s29] =	ssyncadd.s32 @!p0 $0xFFFFC180  }
0x1d: {  	[bflag:$0x0] =	sbarrier.arrive $0xFFFF  }
0x1e: {  	[tilespmem:s3], [sflag:$0x1] =	stream.linear.gather [hbm4b:s4+s3], $0x140, $0x38;
	[tilespmem:$0x16240] =	vst v63  }
0x1f: {  	_ = 	snop  }
0x20: {  	[tilespmem:s17], [sflag:$0x2] =	stream.linear.gather [hbm4b:s5+s3], $0x140, $0x38;
	[tilespmem:$0x16240] =	vst v63  }
0x21: {  	_ =	swait.ge [sflag:s18], $0x140  }
0x22: {  	[sflag:s18] =	ssyncset.done $0x0  }
0x23: {  	[sflag:s18] =	ssyncadd.s32 $0xFFFFFEC0  }
0x24: {  	[tilespmem:s20], [sflag:$0x3] =	stream.indirect.gather [spmem:s2], $0x80, s3, s19, $0xb8;
	[tilespmem:$0x16240] =	vst v63  }
0x25: {  	_ =	swait.ge [sflag:s21], $0x140  }
0x26: {  	[sflag:s21] =	ssyncset.done $0x0  }
0x27: {  	[sflag:s21] =	ssyncadd.s32 $0xFFFFFEC0  }
0x28: {  	_ =	swait.ge [sflag:s22], $0xA000  }
0x29: {  	[sflag:s22] =	ssyncset.done $0x0  }
0x2a: {  	[sflag:s22] =	ssyncadd.s32 $0xFFFF6000  }
0x2b: {  	[tilespmem:s23], [sflag:$0x4] =	stream.indirect.gather [spmem:s2], $0x80, s17, s19, $0xb8;
	[tilespmem:$0x16240] =	vst v63  }
0x2c: {  	_ = 	snop  }
0x2d: {  	[tilespmem:s3], [sflag:$0x1] =	stream.linear.gather [hbm4b:s6+s3], $0x140, $0x38;
	[tilespmem:$0x16240] =	vst v63  }
0x2e: {  	_ = 	snop  }
0x2f: {  	[hbm4b:s7+s3] =	stream.linear.scatter [tilespmem:s20], [sflag:$0x5], $0xA000, $0x38;
	[tilespmem:$0x16240] =	vst v63  }
0x30: {  	_ =	swait.ge [sflag:s24], $0xA000  }
0x31: {  	[sflag:s24] =	ssyncset.done $0x0  }
0x32: {  	[sflag:s24] =	ssyncadd.s32 $0xFFFF6000  }
0x33: {  	_ =	swait.ge [sflag:s18], $0x140  }
0x34: {  	[sflag:s18] =	ssyncset.done $0x0  }
0x35: {  	[sflag:s18] =	ssyncadd.s32 $0xFFFFFEC0  }
0x36: {  	_ =	swait.ge [sflag:s25], $0xA000  }
0x37: {  	[sflag:s25] =	ssyncset.done $0x0  }
0x38: {  	[sflag:s25] =	ssyncadd.s32 $0xFFFF6000  }
0x39: {  	[tilespmem:s20], [sflag:$0x3] =	stream.indirect.gather [spmem:s2], $0x80, s3, s19, $0xb8;
	[tilespmem:$0x16240] =	vst v63  }
0x3a: {  	s29 =	sadd.s32 $0x0, s15  }
0x3b: {  	[tilespmem:s17], [sflag:$0x2] =	stream.linear.gather [hbm4b:s29+s3], $0x140, $0x38;
	[tilespmem:$0x16240] =	vst v63  }
0x3c: {  	_ = 	snop  }
0x3d: {  	[hbm4b:s14+s3] =	stream.linear.scatter [tilespmem:s23], [sflag:$0x6], $0xA000, $0x38;
	[tilespmem:$0x16240] =	vst v63  }
0x3e: {  	_ =	swait.ge [sflag:s22], $0xA000  }
0x3f: {  	[sflag:s22] =	ssyncset.done $0x0  }
0x40: {  	[sflag:s22] =	ssyncadd.s32 $0xFFFF6000  }
0x41: {  	_ =	swait.ge [sflag:s21], $0x140  }
0x42: {  	[sflag:s21] =	ssyncset.done $0x0  }
0x43: {  	[sflag:s21] =	ssyncadd.s32 $0xFFFFFEC0  }
0x44: {  	_ =	swait.ge [sflag:s26], $0xA000  }
0x45: {  	[sflag:s26] =	ssyncset.done $0x0  }
0x46: {  	[sflag:s26] =	ssyncadd.s32 $0xFFFF6000  }
0x47: {  	[tilespmem:s23], [sflag:$0x4] =	stream.indirect.gather [spmem:s2], $0x80, s17, s19, $0xb8;
	[tilespmem:$0x16240] =	vst v63  }
0x48: {  	s29 =	sadd.s32 $0x0, s13  }
0x49: {  	[tilespmem:s3], [sflag:$0x1] =	stream.linear.gather [hbm4b:s29+s3], $0x140, $0x38;
	[tilespmem:$0x16240] =	vst v63  }
0x4a: {  	s31 =	sadd.s32 $0x1400, s14;
	s30 =	sadd.s32 $0x2800, s14;
	s29 =	simm.s32 $0x50  }
.LBB2_2:
0x4b: {  	[hbm4b:s31+s3] =	stream.linear.scatter [tilespmem:s20], [sflag:$0x5], $0xA000, $0x38;
	[tilespmem:$0x16240] =	vst v63  }
0x4c: {  	s31 =	smov.u32 s29  }
0x4d: {  	p1 =	sne.s32 s29, $0xB90;
	s29 =	sadd.s32 $0x50, s29;
	_ =	swait.ge [sflag:s24], $0xA000  }
0x4e: {  	[sflag:s24] =	ssyncset.done $0x0  }
0x4f: {  	[sflag:s24] =	ssyncadd.s32 $0xFFFF6000  }
0x50: {  	_ =	swait.ge [sflag:s18], $0x140  }
0x51: {  	[sflag:s18] =	ssyncset.done $0x0  }
0x52: {  	[sflag:s18] =	ssyncadd.s32 $0xFFFFFEC0  }
0x53: {  	_ =	swait.ge [sflag:s25], $0xA000  }
0x54: {  	[sflag:s25] =	ssyncset.done $0x0  }
0x55: {  	[sflag:s25] =	ssyncadd.s32 $0xFFFF6000  }
0x56: {  	[tilespmem:s20], [sflag:$0x3] =	stream.indirect.gather [spmem:s2], $0x80, s3, s19, $0xb8;
	[tilespmem:$0x16240] =	vst v63  }
0x57: {  	s1 =	sadd.s32 s31, s15  }
0x58: {  	[tilespmem:s17], [sflag:$0x2] =	stream.linear.gather [hbm4b:s1+s3], $0x140, $0x38;
	[tilespmem:$0x16240] =	vst v63  }
0x59: {  	_ = 	snop  }
0x5a: {  	[hbm4b:s30+s3] =	stream.linear.scatter [tilespmem:s23], [sflag:$0x6], $0xA000, $0x38;
	[tilespmem:$0x16240] =	vst v63  }
0x5b: {  	_ =	swait.ge [sflag:s22], $0xA000  }
0x5c: {  	[sflag:s22] =	ssyncset.done $0x0  }
0x5d: {  	[sflag:s22] =	ssyncadd.s32 $0xFFFF6000  }
0x5e: {  	_ =	swait.ge [sflag:s21], $0x140  }
0x5f: {  	[sflag:s21] =	ssyncset.done $0x0  }
0x60: {  	[sflag:s21] =	ssyncadd.s32 $0xFFFFFEC0  }
0x61: {  	_ =	swait.ge [sflag:s26], $0xA000  }
0x62: {  	[sflag:s26] =	ssyncset.done $0x0  }
.Ltmp0:
0x63: {  	[sflag:s26] =	ssyncadd.s32 $0xFFFF6000;
	(pc) =	sbr.rel @p1 .LBB2_2-.Ltmp0, $4  }
0x64: {  	[tilespmem:s23], [sflag:$0x4] =	stream.indirect.gather [spmem:s2], $0x80, s17, s19, $0xb8;
	[tilespmem:$0x16240] =	vst v63  }
0x65: {  	s1 =	sadd.s32 s31, s13  }
0x66: {  	[tilespmem:s3], [sflag:$0x1] =	stream.linear.gather [hbm4b:s1+s3], $0x140, $0x38;
	[tilespmem:$0x16240] =	vst v63  }
0x67: {  	s31 =	sadd.s32 $0x1400, s30;
	s30 =	sadd.s32 $0x2800, s30  }
0x68: {  	[hbm4b:s31+s3] =	stream.linear.scatter [tilespmem:s20], [sflag:$0x5], $0xA000, $0x38;
	[tilespmem:$0x16240] =	vst v63  }
0x69: {  	_ =	swait.ge [sflag:s24], $0xA000  }
0x6a: {  	[sflag:s24] =	ssyncset.done $0x0  }
0x6b: {  	[sflag:s24] =	ssyncadd.s32 $0xFFFF6000  }
0x6c: {  	_ =	swait.ge [sflag:s18], $0x140  }
0x6d: {  	[sflag:s18] =	ssyncset.done $0x0  }
0x6e: {  	[sflag:s18] =	ssyncadd.s32 $0xFFFFFEC0  }
0x6f: {  	_ =	swait.ge [sflag:s25], $0xA000  }
0x70: {  	[sflag:s25] =	ssyncset.done $0x0  }
0x71: {  	[sflag:s25] =	ssyncadd.s32 $0xFFFF6000  }
0x72: {  	[tilespmem:s20], [sflag:$0x3] =	stream.indirect.gather [spmem:s2], $0x80, s3, s19, $0xb8;
	[tilespmem:$0x16240] =	vst v63  }
0x73: {  	_ = 	snop  }
0x74: {  	[tilespmem:s17], [sflag:$0x2] =	stream.linear.gather [hbm4b:s8+s3], $0x140, $0x38;
	[tilespmem:$0x16240] =	vst v63  }
0x75: {  	_ = 	snop  }
0x76: {  	[hbm4b:s9+s3] =	stream.linear.scatter [tilespmem:s23], [sflag:$0x6], $0xA000, $0x38;
	[tilespmem:$0x16240] =	vst v63  }
0x77: {  	_ =	swait.ge [sflag:s22], $0xA000  }
0x78: {  	[sflag:s22] =	ssyncset.done $0x0  }
0x79: {  	[sflag:s22] =	ssyncadd.s32 $0xFFFF6000  }
0x7a: {  	_ =	swait.ge [sflag:s21], $0x140  }
0x7b: {  	[sflag:s21] =	ssyncset.done $0x0  }
0x7c: {  	[sflag:s21] =	ssyncadd.s32 $0xFFFFFEC0  }
0x7d: {  	_ =	swait.ge [sflag:s26], $0xA000  }
0x7e: {  	[sflag:s26] =	ssyncset.done $0x0  }
0x7f: {  	[sflag:s26] =	ssyncadd.s32 $0xFFFF6000  }
0x80: {  	[tilespmem:s23], [sflag:$0x4] =	stream.indirect.gather [spmem:s2], $0x80, s17, s19, $0xb8;
	[tilespmem:$0x16240] =	vst v63  }
0x81: {  	_ = 	snop  }
0x82: {  	[hbm4b:s10+s3] =	stream.linear.scatter [tilespmem:s20], [sflag:$0x5], $0xA000, $0x38;
	[tilespmem:$0x16240] =	vst v63  }
0x83: {  	_ =	swait.ge [sflag:s24], $0xA000  }
0x84: {  	[sflag:s24] =	ssyncset.done $0x0  }
0x85: {  	[sflag:s24] =	ssyncadd.s32 $0xFFFF6000  }
0x86: {  	s28 =	sadd.s32 $0x1, s28;
	_ =	swait.ge [sflag:s25], $0xA000  }
0x87: {  	p1 =	sne.s32 s28, s12;
	[sflag:s25] =	ssyncset.done $0x0  }
.Ltmp1:
0x88: {  	[sflag:s25] =	ssyncadd.s32 $0xFFFF6000;
	(pc) =	sbr.rel @p1 .LBB2_1-.Ltmp1, $4  }
0x89: {  	[hbm4b:s11+s3] =	stream.linear.scatter [tilespmem:s23], [sflag:$0x6], $0xA000, $0x38;
	[tilespmem:$0x16240] =	vst v63  }
0x8a: {  	_ =	swait.ge [sflag:s26], $0xA000  }
0x8b: {  	[sflag:s26] =	ssyncset.done $0x0  }
0x8c: {  	[sflag:s26] =	ssyncadd.s32 $0xFFFF6000  }
0x8d: {  	_ =	sfence.sel $0x180000  }
0x8e: {  	[bflag:$0x0] =	sbarrier.arrive $0xFFFF  }
0x8f: {  	_ =	strace $0x90000047  }
0x90: {  	[bflag:$0x2] =	sbarrier.arrive $0xFFFF  }
0x91: {  	s0 =	rddreg [dreg:$0x4]  }
0x92: {  	s0 =	sadd.s32 @!p0 $0x100000, s0  }
0x93: {  	[sflag:s0] =	ssyncadd.tile.s32 @!p0 $0x1;
	_ =	shalt  }
.Lfunc_end2:
_tile_overlayer_lowered:
.L_overlay_start_2:
0x94: {  	(tag) =	ssettag $0x2  }
0x95: {  	s0 =	rddreg [dreg:$0x0];
	s2 =	stileid.u32  }
0x96: {  	s1 =	rddreg [dreg:$0x1];
	p0 =	sne.s32 s2, $0x0  }
0x97: {  	s3 =	rddreg [dreg:$0x2];
	[bflag:$0x3] =	sbarrier.arrive $0xFFFF;
	s2 =	simm.s32 @!p0 $0x1C07  }
0x98: {  	[timem:s3], [sflag:s2] =	dma.local @!p0 [hbm:s0], s1  }
0x99: {  	s0 =	simm.s32 @!p0 $0x7  }
0x9a: {  	_ =	swait.ge @!p0 [sflag:s0], s1  }
0x9b: {  	s1 =	ssub.s32 @!p0 $0x0, s1;
	[sflag:s0] =	ssyncset.done @!p0 $0x0  }
0x9c: {  	[sflag:s0] =	ssyncadd.s32 @!p0 s1  }
0x9d: {  	[bflag:$0x3] =	sbarrier.arrive $0xFFFF  }
0x9e: {  	_ =	shalt  }

</sc_bundles>
